<compile_context>
chip_gen: v7x
topology: tpu7x:2x2x1
jax: 0.10.2.dev20260603
libtpu: 0.0.44.dev20260713+nightly
codegen_flags: <defaults>
</compile_context>

<pallas_src>
import functools

import jax
import jax.numpy as jnp
from jax import lax
from jax.experimental import pallas as pl
from jax.experimental.pallas import tpu as pltpu
from jax.experimental.pallas import tpu_sc as plsc


def kernel(x, idx):
    B, V, D = x.shape
    _, N = idx.shape
    total = B * N

    info = plsc.get_sparse_core_info()
    NC, NS, L = info.num_cores, info.num_subcores, info.num_lanes
    NW = NC * NS
    b_per_w = total // NW

    mesh = plsc.VectorSubcoreMesh(core_axis_name="c", subcore_axis_name="s")

    @functools.partial(
        pl.kernel,
        mesh=mesh,
        out_type=jax.ShapeDtypeStruct((total, D), jnp.float32),
        scratch_types=[
            pltpu.VMEM((b_per_w,), jnp.int32),
            pltpu.VMEM((b_per_w, D), jnp.float32),
            pltpu.SemaphoreType.DMA,
        ],
    )
    def gather_k(x_hbm, idx_hbm, out_hbm, idx_v, rows_v, sem):
        wid = lax.axis_index("s") * NC + lax.axis_index("c")
        base = wid * b_per_w
        b = base // N
        pltpu.sync_copy(idx_hbm.at[b, pl.ds(base % N, b_per_w)], idx_v)
        for i in range(b_per_w // L):
            idx_v[pl.ds(i * L, L)] = idx_v[pl.ds(i * L, L)] + b * V
        pltpu.async_copy(x_hbm.at[idx_v], rows_v, sem).wait()
        pltpu.sync_copy(rows_v, out_hbm.at[pl.ds(base, b_per_w)])

    xf = x.reshape(B * V, D)
    out = gather_k(xf, idx.astype(jnp.int32))
    return out.reshape(B, N, D)

# --- scband reference (transcript-rebuilt; emitter-appended) ---
"""Pipeline reference for scband-indexed-slice-15341623181358 (READ-ONLY COPY).

The authoritative reference and input builder live on the scoring server;
editing this copy changes nothing except your own understanding.
"""

import jax, jax.numpy as jnp
import numpy as np


def setup_inputs(seed: int = 0) -> dict:
    key = jax.random.key(seed)
    k1, k2 = jax.random.split(key)
    x = jax.random.normal(k1, (4, 8192, 2048), dtype=jnp.float32)
    idx = jax.random.randint(k2, (4, 256), 0, 8192, dtype=jnp.int64 if jax.config.jax_enable_x64 else jnp.int32)
    return {"x": x, "idx": idx}


def reference(x, idx):
    # Faithful translation of tf.vectorized_map(lambda z: tf.gather(z[0], z[1]), (x, idx))
    # For each batch element b: gather rows x[b][idx[b]] -> [n_idx, d]
    return jax.vmap(lambda xb, ib: jnp.take(xb, ib, axis=0))(x, idx)

if __name__ == "__main__":
    import jax
    _d = setup_inputs()
    print(jax.jit(kernel)(*tuple(_d.values())))

</pallas_src>

<mosaic_0001>
#map = affine_map<(d0, d1) -> (0, 0)>
module attributes {stable_mosaic.version = 14 : i64} {
  func.func @gather_k(%arg0: i32, %arg1: i32, %arg2: memref<32768x2048xf32, #tpu.memory_space<hbm>>, %arg3: memref<4x256xi32, #tpu.memory_space<hbm>>, %arg4: memref<1024x2048xf32, #tpu.memory_space<hbm>>, %arg5: memref<32xi32, #tpu.memory_space<vmem>>, %arg6: memref<32x2048xf32, #tpu.memory_space<vmem>>, %arg7: memref<!tpu.dma_semaphore, #tpu.memory_space<semaphore_mem>>) attributes {dimension_semantics = [#tpu.dimension_semantics<core_parallel>, #tpu.dimension_semantics<subcore_parallel>], iteration_bounds = array<i64: 2, 16>, scalar_prefetch = 0 : i64, scratch_operands = 3 : i64, tpu.core_type = #tpu.core_type<sc_vector_subcore>, window_params = [{transform_indices = #map}, {transform_indices = #map}, {transform_indices = #map}]} {
    %mul3A = arith.constant 2 : i32
    %mul3A_0 = arith.muli %arg1, %mul3A : i32
    %add3A = arith.addi %mul3A_0, %arg0 : i32
    %mul3A_1 = arith.constant 32 : i32
    %mul3A_2 = arith.muli %add3A, %mul3A_1 : i32
    %jit3A = arith.constant 256 : i32
    %div3A = arith.divsi %mul3A_2, %jit3A : i32
    %sign3A = arith.constant 0 : i32
    %sign3A_3 = arith.cmpi sgt, %mul3A_2, %sign3A : i32
    %sign3A_4 = arith.extui %sign3A_3 : i1 to i32
    %sign3A_5 = arith.constant 0 : i32
    %sign3A_6 = arith.cmpi slt, %mul3A_2, %sign3A_5 : i32
    %sign3A_7 = arith.extui %sign3A_6 : i1 to i32
    %sign3A_8 = arith.subi %sign3A_4, %sign3A_7 : i32
    %sign3A_9 = arith.constant 0 : i32
    %sign3A_10 = arith.cmpi sgt, %jit3A, %sign3A_9 : i32
    %sign3A_11 = arith.extui %sign3A_10 : i1 to i32
    %sign3A_12 = arith.constant 0 : i32
    %sign3A_13 = arith.cmpi slt, %jit3A, %sign3A_12 : i32
    %sign3A_14 = arith.extui %sign3A_13 : i1 to i32
    %sign3A_15 = arith.subi %sign3A_11, %sign3A_14 : i32
    %ne3A = arith.cmpi ne, %sign3A_8, %sign3A_15 : i32
    %rem3A = arith.remsi %mul3A_2, %jit3A : i32
    %ne3A_16 = arith.constant 0 : i32
    %ne3A_17 = arith.cmpi ne, %rem3A, %ne3A_16 : i32
    %and3A = arith.andi %ne3A, %ne3A_17 : i1
    %sub3A = arith.constant 1 : i32
    %sub3A_18 = arith.subi %div3A, %sub3A : i32
    %select_n3A = arith.select %and3A, %sub3A_18, %div3A : i32
    %jit3A_19 = arith.constant 256 : i32
    %eq3A = arith.constant 0 : i32
    %eq3A_20 = arith.cmpi eq, %jit3A_19, %eq3A : i32
    %jit3A_21 = arith.constant 1 : i32
    %select_n3A_22 = arith.select %eq3A_20, %jit3A_21, %jit3A_19 : i32
    %rem3A_23 = arith.remsi %mul3A_2, %select_n3A_22 : i32
    %ne3A_24 = arith.constant 0 : i32
    %ne3A_25 = arith.cmpi ne, %rem3A_23, %ne3A_24 : i32
    %lt3A = arith.constant 0 : i32
    %lt3A_26 = arith.cmpi slt, %rem3A_23, %lt3A : i32
    %lt3A_27 = arith.constant 0 : i32
    %lt3A_28 = arith.cmpi slt, %select_n3A_22, %lt3A_27 : i32
    %ne3A_29 = arith.xori %lt3A_26, %lt3A_28 : i1
    %and3A_30 = arith.andi %ne3A_29, %ne3A_25 : i1
    %add3A_31 = arith.addi %rem3A_23, %select_n3A_22 : i32
    %select_n3A_32 = arith.select %and3A_30, %add3A_31, %rem3A_23 : i32
    "tpu.region"() ({
      %run_scoped3A = tpu.sem_alloc : memref<!tpu.dma_semaphore, #tpu.memory_space<semaphore_mem>>
      %dma_start3A_57 = tpu.memref_slice %arg3[%select_n3A, %select_n3A_32] : memref<4x256xi32, #tpu.memory_space<hbm>> -> memref<1x32xi32, #tpu.memory_space<hbm>>
      %dma_start3A_58 = tpu.memref_squeeze %dma_start3A_57 : memref<1x32xi32, #tpu.memory_space<hbm>> -> memref<32xi32, #tpu.memory_space<hbm>>
      %dma_start3A_59 = tpu.memref_slice %arg3[%select_n3A, %select_n3A_32] : memref<4x256xi32, #tpu.memory_space<hbm>> -> memref<1x32xi32, #tpu.memory_space<hbm>>
      %dma_start3A_60 = tpu.memref_squeeze %dma_start3A_59 : memref<1x32xi32, #tpu.memory_space<hbm>> -> memref<32xi32, #tpu.memory_space<hbm>>
      tpu.enqueue_dma source(%dma_start3A_60 : memref<32xi32, #tpu.memory_space<hbm>>) target(%arg5 : memref<32xi32, #tpu.memory_space<vmem>>) target_semaphore(%run_scoped3A : memref<!tpu.dma_semaphore, #tpu.memory_space<semaphore_mem>>)
      %dma_wait3A_61 = tpu.memref_slice %arg3[%select_n3A, %select_n3A_32] : memref<4x256xi32, #tpu.memory_space<hbm>> -> memref<1x32xi32, #tpu.memory_space<hbm>>
      %dma_wait3A_62 = tpu.memref_squeeze %dma_wait3A_61 : memref<1x32xi32, #tpu.memory_space<hbm>> -> memref<32xi32, #tpu.memory_space<hbm>>
      %dma_wait3A_63 = tpu.memref_slice %arg3[%select_n3A, %select_n3A_32] : memref<4x256xi32, #tpu.memory_space<hbm>> -> memref<1x32xi32, #tpu.memory_space<hbm>>
      %dma_wait3A_64 = tpu.memref_squeeze %dma_wait3A_63 : memref<1x32xi32, #tpu.memory_space<hbm>> -> memref<32xi32, #tpu.memory_space<hbm>>
      tpu.wait_dma2 semaphore(%run_scoped3A : memref<!tpu.dma_semaphore, #tpu.memory_space<semaphore_mem>>) src(%dma_wait3A_64 : memref<32xi32, #tpu.memory_space<hbm>>) dst(%arg5 : memref<32xi32, #tpu.memory_space<vmem>>)
      tpu.yield
    }) : () -> ()
    %get3A = arith.constant 0 : index
    %get3A_33 = tpu.vector_load %arg5[%get3A] {strides = array<i32>} : memref<32xi32, #tpu.memory_space<vmem>>, vector<16xi32>,
    %get3A_34 = vector.shape_cast %get3A_33 : vector<16xi32> to vector<16xi32>
    %mul3A_35 = arith.constant 8192 : i32
    %mul3A_36 = arith.muli %select_n3A, %mul3A_35 : i32
    %add3A_37 = vector.broadcast %mul3A_36 : i32 to vector<16xi32>
    %add3A_38 = arith.addi %get3A_34, %add3A_37 : vector<16xi32>
    %swap3A = arith.constant 0 : index
    %swap3A_39 = tpu.vector_load %arg5[%swap3A] {strides = array<i32>} : memref<32xi32, #tpu.memory_space<vmem>>, vector<16xi32>,
    %swap3A_40 = vector.shape_cast %swap3A_39 : vector<16xi32> to vector<16xi32>
    %swap3A_41 = vector.shape_cast %add3A_38 : vector<16xi32> to vector<16xi32>
    tpu.vector_store %arg5[%swap3A], %swap3A_41 {strides = array<i32>} : memref<32xi32, #tpu.memory_space<vmem>>, vector<16xi32>,
    %get3A_42 = arith.constant 16 : index
    %get3A_43 = tpu.vector_load %arg5[%get3A_42] {strides = array<i32>} : memref<32xi32, #tpu.memory_space<vmem>>, vector<16xi32>,
    %get3A_44 = vector.shape_cast %get3A_43 : vector<16xi32> to vector<16xi32>
    %mul3A_45 = arith.constant 8192 : i32
    %mul3A_46 = arith.muli %select_n3A, %mul3A_45 : i32
    %add3A_47 = vector.broadcast %mul3A_46 : i32 to vector<16xi32>
    %add3A_48 = arith.addi %get3A_44, %add3A_47 : vector<16xi32>
    %swap3A_49 = arith.constant 16 : index
    %swap3A_50 = tpu.vector_load %arg5[%swap3A_49] {strides = array<i32>} : memref<32xi32, #tpu.memory_space<vmem>>, vector<16xi32>,
    %swap3A_51 = vector.shape_cast %swap3A_50 : vector<16xi32> to vector<16xi32>
    %swap3A_52 = vector.shape_cast %add3A_48 : vector<16xi32> to vector<16xi32>
    tpu.vector_store %arg5[%swap3A_49], %swap3A_52 {strides = array<i32>} : memref<32xi32, #tpu.memory_space<vmem>>, vector<16xi32>,
    %dma_start3A = arith.constant 0 : i32
    %dma_start3A_53 = arith.constant 0 : i32
    %dma_start3A_54 = tpu.memref_slice %arg2[%dma_start3A, %dma_start3A_53] : memref<32768x2048xf32, #tpu.memory_space<hbm>> -> memref<32768x2048xf32, #tpu.memory_space<hbm>>
    tpu.enqueue_indirect_dma source(%dma_start3A_54 : memref<32768x2048xf32, #tpu.memory_space<hbm>>) target(%arg6 : memref<32x2048xf32, #tpu.memory_space<vmem>>) offsets(%arg5 : memref<32xi32, #tpu.memory_space<vmem>>) semaphore(%arg7 : memref<!tpu.dma_semaphore, #tpu.memory_space<semaphore_mem>>)
    %dma_wait3A = arith.constant 0 : i32
    %dma_wait3A_55 = arith.constant 0 : i32
    %dma_wait3A_56 = tpu.memref_slice %arg2[%dma_wait3A, %dma_wait3A_55] : memref<32768x2048xf32, #tpu.memory_space<hbm>> -> memref<32768x2048xf32, #tpu.memory_space<hbm>>
    tpu.wait_indirect_dma semaphore(%arg7 : memref<!tpu.dma_semaphore, #tpu.memory_space<semaphore_mem>>) src(%dma_wait3A_56 : memref<32768x2048xf32, #tpu.memory_space<hbm>>) dst(%arg6 : memref<32x2048xf32, #tpu.memory_space<vmem>>)
    "tpu.region"() ({
      %run_scoped3A = tpu.sem_alloc : memref<!tpu.dma_semaphore, #tpu.memory_space<semaphore_mem>>
      %dma_start3A_57 = arith.constant 0 : i32
      %dma_start3A_58 = tpu.memref_slice %arg4[%mul3A_2, %dma_start3A_57] : memref<1024x2048xf32, #tpu.memory_space<hbm>> -> memref<32x2048xf32, #tpu.memory_space<hbm>>
      %dma_start3A_59 = arith.constant 0 : i32
      %dma_start3A_60 = tpu.memref_slice %arg4[%mul3A_2, %dma_start3A_59] : memref<1024x2048xf32, #tpu.memory_space<hbm>> -> memref<32x2048xf32, #tpu.memory_space<hbm>>
      tpu.enqueue_dma source(%arg6 : memref<32x2048xf32, #tpu.memory_space<vmem>>) target(%dma_start3A_60 : memref<32x2048xf32, #tpu.memory_space<hbm>>) target_semaphore(%run_scoped3A : memref<!tpu.dma_semaphore, #tpu.memory_space<semaphore_mem>>)
      %dma_wait3A_61 = arith.constant 0 : i32
      %dma_wait3A_62 = tpu.memref_slice %arg4[%mul3A_2, %dma_wait3A_61] : memref<1024x2048xf32, #tpu.memory_space<hbm>> -> memref<32x2048xf32, #tpu.memory_space<hbm>>
      %dma_wait3A_63 = arith.constant 0 : i32
      %dma_wait3A_64 = tpu.memref_slice %arg4[%mul3A_2, %dma_wait3A_63] : memref<1024x2048xf32, #tpu.memory_space<hbm>> -> memref<32x2048xf32, #tpu.memory_space<hbm>>
      tpu.wait_dma2 semaphore(%run_scoped3A : memref<!tpu.dma_semaphore, #tpu.memory_space<semaphore_mem>>) src(%arg6 : memref<32x2048xf32, #tpu.memory_space<vmem>>) dst(%dma_wait3A_64 : memref<32x2048xf32, #tpu.memory_space<hbm>>)
      tpu.yield
    }) : () -> ()
    return
  }
}

</mosaic_0001>

<sc_bundles>
// kernel: kernel.3.cloned.1.call-start
scs
__scs_entry_jumppad:
0x0: {  	(pc) =	sbr.rel $0x88, $3  }
0x1: {  	(tag) =	ssettag $0x0;
	lr =	simm.s32 $0x1  }
0x2: {  	[smem:$0x3F9F] =	sst lr;
	_ =	strace $0xD0000000  }
0x3: {  	_ = 	snop  }
0x4: {  	_ = 	snop  }
0x5: {  	_ = 	snop  }
0x6: {  	_ = 	snop  }
0x7: {  	_ = 	snop  }
__scs_overlays_trampoline_lowered:
0x8: {  	[smem:$0x3FAE] =	sst s0  }
0x9: {  	[smem:$0x3FAF] =	sst s1  }
0xa: {  	[smem:$0x3FB0] =	sst s2  }
0xb: {  	[smem:$0x3FB1] =	sst s3  }
0xc: {  	[smem:$0x3FB2] =	sst s4  }
0xd: {  	[smem:$0x3FB3] =	sst s5  }
0xe: {  	[smem:$0x3FB4] =	sst s6  }
0xf: {  	[smem:$0x3FB5] =	sst s7  }
0x10: {  	[smem:$0x3FB6] =	sst s8  }
0x11: {  	[smem:$0x3FB7] =	sst s9;
	s0 =	simm.s32 @!p0 $0x0  }
0x12: {  	s1 =	sld [smem:$0x3F9D];
	s0 =	simm.s32 @p0 $0x1  }
0x13: {  	[smem:$0x3FB8] =	sst s0;
	s0 =	simm.s32 @!p1 $0x0  }
0x14: {  	s2 =	sld [smem:$0x3F9C];
	s0 =	simm.s32 @p1 $0x1  }
0x15: {  	[smem:$0x3FB9] =	sst s0;
	s0 =	simm.s32 @!p2 $0x0  }
0x16: {  	s3 =	sld [smem:$0x3FDB];
	s0 =	simm.s32 @p2 $0x1  }
0x17: {  	s4 =	simm.s32 $0x1BF5;
	[smem:$0x3FBB] =	sst s0  }
0x18: {  	s0 =	sld [smem:$0x3F9E];
	_ =	swait.ge [sflag:s4], $0x0  }
0x19: {  	s7 =	sld [smem:$0x3F9F]  }
0x1a: {  	s8 =	sadd.s32 $0xFFFFE003, lr  }
0x1b: {  	s9 =	sadd.s32 $0xFFFFFEF7, lr;
	s5 =	simm.s32 $0xFFFFFFFF;
	p2 =	slt.u32 s8, $0xFFFFF086  }
0x1c: {  	p1 =	slt.u32 s9, $0xF7A;
	s5 =	simm.s32 @!p2 $0x0  }
0x1d: {  	s5 =	simm.s32 @p1 $0x1;
	p0 =	seq.s32 s7, s2  }
0x1e: {  	s7 =	smul.u32 @!p0 $0xF7A, s2;
	p2 =	seq.s32 @!p0 s5, $0x0  }
0x1f: {  	s9 =	smul.u32 $0xF7A, s1;
	s8 =	simm.s32 @!p0 $0x1BF5;
	p2 =	por !p2, p0  }
0x20: {  	[sflag:s8] =	ssyncset.s32 @!p0 $0xFFFFF086;
	s6 =	sadd.s32 @!p0 s3, s7;
	s7 =	simm.s32 @!p0 $0x108  }
0x21: {  	s3 =	sadd.s32 s3, s9;
	s6 =	sadd.s32 @!p0 $0x88, s6;
	s7 =	simm.s32 @p2 $0x1082  }
0x22: {  	[simem:s7], [sflag:s8] =	dma.local @!p0 [hbm:s6], $0xF7A  }
0x23: {  	s9 =	sor.u32 $0xD0000000, s2;
	s6 =	simm.s32 $0x108;
	_ =	swait.ge @!p0 [sflag:s8], $0x0  }
0x24: {  	s3 =	sadd.s32 $0x88, s3;
	s6 =	simm.s32 @!p1 $0x1082;
	[sflag:s4] =	ssyncset.s32 $0xFFFFF086  }
0x25: {  	[simem:s6], [sflag:s4] =	dma.local [hbm:s3], $0xF7A  }
0x26: {  	[smem:$0x3F9F] =	sst s1;
	(tag) =	ssettag s2;
	_ =	strace s9  }
0x27: {  	s1 =	sld [smem:$0x3FAF]  }
0x28: {  	s2 =	sld [smem:$0x3FB0]  }
0x29: {  	s4 =	sld [smem:$0x3FB2]  }
0x2a: {  	p0 =	seq.s32 s5, $0x0;
	s5 =	sld [smem:$0x3FB3]  }
0x2b: {  	s6 =	sld [smem:$0x3FB4]  }
0x2c: {  	s7 =	sld [smem:$0x3FB5]  }
0x2d: {  	s3 =	simm.s32 $0x108;
	s8 =	sld [smem:$0x3FB6]  }
0x2e: {  	s3 =	simm.s32 @!p0 $0x1082;
	s9 =	sld [smem:$0x3FB7]  }
0x2f: {  	lr =	sadd.s32 s0, s3;
	s0 =	sld [smem:$0x3FAE]  }
0x30: {  	s3 =	sld [smem:$0x3FB1]  }
0x31: {  	[smem:$0x3FBA] =	sst s10  }
0x32: {  	s10 =	sld [smem:$0x3FB8];
	_ =	sdelay $0x3  }
0x33: {  	p0 =	seq.s32 s10, $0x1;
	s10 =	sld [smem:$0x3FBA];
	_ =	sdelay $0x3  }
0x34: {  	[smem:$0x3FBA] =	sst s10  }
0x35: {  	s10 =	sld [smem:$0x3FB9];
	_ =	sdelay $0x3  }
0x36: {  	p1 =	seq.s32 s10, $0x1;
	s10 =	sld [smem:$0x3FBA];
	_ =	sdelay $0x3  }
0x37: {  	[smem:$0x3FBA] =	sst s10  }
0x38: {  	s10 =	sld [smem:$0x3FBB]  }
0x39: {  	_ = 	snop;
	(pc) =	sbr.ind lr, $3  }
0x3a: {  	_ = 	snop  }
0x3b: {  	_ = 	snop  }
0x3c: {  	p2 =	seq.s32 s10, $0x1;
	s10 =	sld [smem:$0x3FBA]  }
0x3d: {  	_ =	shalt  }
0x3e: {  	_ =	shalt  }
0x3f: {  	_ =	shalt  }
0x40: {  	_ =	shalt  }
0x41: {  	_ =	shalt  }
0x42: {  	_ =	shalt  }
0x43: {  	_ =	shalt  }
0x44: {  	_ =	shalt  }
0x45: {  	_ =	shalt  }
0x46: {  	_ =	shalt  }
0x47: {  	_ =	shalt  }
0x48: {  	_ =	shalt  }
0x49: {  	_ =	shalt  }
0x4a: {  	_ =	shalt  }
0x4b: {  	_ =	shalt  }
0x4c: {  	_ =	shalt  }
0x4d: {  	_ =	shalt  }
0x4e: {  	_ =	shalt  }
0x4f: {  	_ =	shalt  }
0x50: {  	_ =	shalt  }
0x51: {  	_ =	shalt  }
0x52: {  	_ =	shalt  }
0x53: {  	_ =	shalt  }
0x54: {  	_ =	shalt  }
0x55: {  	_ =	shalt  }
0x56: {  	_ =	shalt  }
0x57: {  	_ =	shalt  }
0x58: {  	_ =	shalt  }
0x59: {  	_ =	shalt  }
0x5a: {  	_ =	shalt  }
0x5b: {  	_ =	shalt  }
0x5c: {  	_ =	shalt  }
0x5d: {  	_ =	shalt  }
0x5e: {  	_ =	shalt  }
0x5f: {  	_ =	shalt  }
0x60: {  	_ =	shalt  }
0x61: {  	_ =	shalt  }
0x62: {  	_ =	shalt  }
0x63: {  	_ =	shalt  }
0x64: {  	_ =	shalt  }
0x65: {  	_ =	shalt  }
0x66: {  	_ =	shalt  }
0x67: {  	_ =	shalt  }
0x68: {  	_ =	shalt  }
0x69: {  	_ =	shalt  }
0x6a: {  	_ =	shalt  }
0x6b: {  	_ =	shalt  }
0x6c: {  	_ =	shalt  }
0x6d: {  	_ =	shalt  }
0x6e: {  	_ =	shalt  }
0x6f: {  	_ =	shalt  }
0x70: {  	_ =	shalt  }
0x71: {  	_ =	shalt  }
0x72: {  	_ =	shalt  }
0x73: {  	_ =	shalt  }
0x74: {  	_ =	shalt  }
0x75: {  	_ =	shalt  }
0x76: {  	_ =	shalt  }
0x77: {  	_ =	shalt  }
0x78: {  	_ =	shalt  }
0x79: {  	_ =	shalt  }
0x7a: {  	_ =	shalt  }
0x7b: {  	_ =	shalt  }
0x7c: {  	_ =	shalt  }
0x7d: {  	_ =	shalt  }
0x7e: {  	_ =	shalt  }
0x7f: {  	_ =	shalt  }
0x80: {  	_ =	shalt  }
0x81: {  	_ =	shalt  }
0x82: {  	_ =	shalt  }
0x83: {  	_ =	shalt  }
0x84: {  	_ =	shalt  }
0x85: {  	_ =	shalt  }
0x86: {  	_ =	shalt  }
0x87: {  	_ =	shalt  }
.Lfunc_end0:
.L_simem_size_0:
called_computation_lowered:
.L_overlay_start_0:
0x88: {  	s2 =	sld [smem:$0x3FD9]  }
0x89: {  	s3 =	sld [smem:$0x3FFE];
	_ =	sdelay $0x1  }
0x8a: {  	s1 =	srdreg.scid  }
0x8b: {  	s0 =	sand.u32 $0x1, s1  }
0x8c: {  	s18 =	sshll.u32 s0, $0xA;
	s2 =	sadd.s32 s3, s2  }
0x8d: {  	s2 =	sadd.s32 s2, s18  }
0x8e: {  	[smem:$0x3FC6] =	sst s2  }
0x8f: {  	_ = 	snop  }
0x90: {  	s2 =	sld [smem:$0x3FC9]  }
0x91: {  	s19 =	sld [smem:$0x3FC8]  }
0x92: {  	s4 =	sld [smem:$0x3FD0];
	(tm) =	ssettm $0x1  }
0x93: {  	s5 =	sld [smem:$0x3FFB];
	_ =	sdelay $0x3  }
0x94: {  	_ =	strace s5  }
0x95: {  	s5 =	sld [smem:$0x3FFC];
	_ =	sdelay $0x3  }
0x96: {  	_ =	strace s5  }
0x97: {  	s5 =	sld [smem:$0x3FFD];
	_ =	sdelay $0x3  }
0x98: {  	_ =	strace s5  }
0x99: {  	_ =	strace $0x8FFFFFFF  }
0x9a: {  	s20 =	sld [smem:$0x3FDB];
	_ =	sdelay $0x1  }
0x9b: {  	s6 =	simm.s32 $_scs_section_size  }
0x9c: {  	s7 =	simm.s32 $_size__tile_overlayer_lowered;
	s8 =	simm.s32 $_tile_overlayer_lowered  }
0x9d: {  	s23 =	simm.s32 $0x1BFF;
	s22 =	sshll.u32 s8, $0x1;
	s5 =	sadd.s32 s6, s20  }
0x9e: {  	s9 =	simm.s32 $0x0;
	s21 =	sshll.u32 s7, $0x1;
	s7 =	sadd.s32 s22, s5  }
0x9f: {  	[timem:s9], [sflag:s23] =	dma.local [hbm:s7], s21  }
0xa0: {  	_ =	swait.ge [sflag:s23], s21  }
0xa1: {  	s6 =	ssub.s32 $0x0, s21;
	[sflag:s23] =	ssyncset.done $0x0  }
0xa2: {  	[sflag:s23] =	ssyncadd.s32 s6;
	_ =	sdelay $0x1  }
0xa3: {  	s24 =	simm.s32 $0x1B8B  }
0xa4: {  	_ =	swait.ge [sflag:s24], $0x1  }
0xa5: {  	[sflag:s24] =	ssyncset.done $0x0  }
0xa6: {  	s25 =	simm.s32 $0x1B8E;
	[sflag:s24] =	ssyncadd.s32 $0xFFFFFFFF  }
0xa7: {  	s26 =	simm.s32 $execute0_lowered;
	[smem:$0x3FD2] =	sst s25  }
0xa8: {  	s6 =	sshll.u32 s26, $0x1;
	_ =	strace $0x80000046;
	[dreg:$0x1] =	wrdreg $0xFFFFFFFF  }
0xa9: {  	s28 =	simm.s32 $_size_execute0_lowered;
	s5 =	sadd.s32 s5, s6;
	[dreg:$0x0] =	wrdreg $0x0  }
0xaa: {  	s6 =	sshll.u32 s28, $0x1;
	[dreg:$0x2] =	wrdreg s5  }
0xab: {  	[dreg:$0x3] =	wrdreg s6  }
0xac: {  	[dreg:$0x4] =	wrdreg $0xC0  }
0xad: {  	_ =	task [dreg:s9], $0x5FFFF  }
0xae: {  	[dreg:$0x1] =	wrdreg $0xFFFFFFFF  }
0xaf: {  	[dreg:$0x0] =	wrdreg $0x60  }
0xb0: {  	[dreg:$0x2] =	wrdreg s2  }
0xb1: {  	[dreg:$0x3] =	wrdreg s19  }
0xb2: {  	[dreg:$0x4] =	wrdreg s4  }
0xb3: {  	[dreg:$0x5] =	wrdreg $0x9  }
0xb4: {  	_ =	task.clear_ibuf [dreg:s9], $0x6FFFF;
	_ =	strace $0x90000046  }
0xb5: {  	s29 =	simm.s32 $0x9;
	_ =	strace $0x80000048  }
0xb6: {  	_ =	swait.ge [sflag:s29], $0x1  }
0xb7: {  	[sflag:s29] =	ssyncadd.s32 $0xFFFFFFFF  }
0xb8: {  	_ =	strace $0x90000048  }
0xb9: {  	_ =	sfence  }
0xba: {  	s30 =	sld [smem:$0x0];
	_ =	sdelay $0x2  }
0xbb: {  	s31 =	sshll.u32 s1, $0xD;
	s1 =	sshrl.u32 s1, $0x2  }
0xbc: {  	s3 =	sand.u32 $0x4000, s31;
	s1 =	sadd.s32 s1, s30  }
0xbd: {  	s0 =	sor.u32 s3, s0;
	s1 =	sshll.u32 s1, $0x11  }
0xbe: {  	s0 =	sor.u32 s1, s0  }
0xbf: {  	s0 =	sadd.s32 $0x8F2B, s0  }
0xc0: {  	[sflag:s0] =	ssyncadd.remote.s32 $0x1  }
0xc1: {  	_ =	sfence.sel $0xFFFF  }
0xc2: {  	[dreg:$0x0] =	wrdreg $0xFFFFFFFF;
	(pc) =	sbr.abs _section_cstart, $3  }
0xc3: {  	[dreg:$0x1] =	wrdreg $0xFFFFFFFF  }
0xc4: {  	_ =	task.clear_ibuf [dreg:s9], $0x2FFFF;
	_ =	strace $0x9FFFFFFF  }
0xc5: {  	(tm) =	ssettm $0x7FFFFFFF  }
tec
execute0_lowered:
.L_overlay_start_1:
0x0: {  	(tag) =	ssettag $0x1  }
0x1: {  	s1 =	rddreg [dreg:$0x0]  }
0x2: {  	s2 =	srdreg.scid;
	s4 =	rddreg [dreg:$0x1]  }
0x3: {  	s0 =	stileid.u32;
	s8 =	rddreg [dreg:$0x2];
	s14 =	simm.s32 $0x880  }
0x4: {  	s15 =	simm.s32 $0x1080;
	s16 =	simm.s32 $0x1880;
	s18 =	simm.s32 $0x2080  }
0x5: {  	s19 =	simm.s32 $0x2880;
	s20 =	simm.s32 $0x3080;
	s21 =	simm.s32 $0x3880  }
0x6: {  	s22 =	simm.s32 $0x4080;
	s23 =	simm.s32 $0x4880;
	s2 =	sand.u32 $0x1, s2  }
0x7: {  	s24 =	simm.s32 $0x5080;
	s3 =	sshll.u32 s0, $0x6;
	s5 =	sshll.u32 s2, $0x5  }
0x8: {  	s10 =	simm.s32 $0x5880;
	s5 =	sor.u32 s5, s3;
	s3 =	simm.s32 $0x0  }
0x9: {  	s25 =	simm.s32 $0x7080;
	s28 =	simm.s32 $0xE080;
	[smem:$0x7FF] =	sst s3  }
0xa: {  	s29 =	simm.s32 $0xE880;
	_ =	strace $0x80000047;
	[dreg:$0x6] =	wrdreg s14  }
0xb: {  	s30 =	simm.s32 $0xF080;
	s31 =	simm.s32 $0xF880;
	[dreg:$0x7] =	wrdreg s15  }
0xc: {  	s6 =	sshll.u32 s0, $0x8;
	s7 =	sshrl.u32 s0, $0x2;
	[dreg:$0x8] =	wrdreg s16  }
0xd: {  	s11 =	sand.u32 $0x200, s6;
	s12 =	sshll.u32 s7, $0x7;
	[dreg:$0x9] =	wrdreg s18  }
0xe: {  	s2 =	ssub.s32 $0x2, s2;
	s26 =	sshll.u32 s7, $0xD;
	[dreg:$0xa] =	wrdreg s19  }
0xf: {  	s7 =	sadd.s32 $0x400, s1;
	s6 =	sor.u32 s12, s11;
	[dreg:$0xb] =	wrdreg s20  }
0x10: {  	s17 =	sshrl.u32 s2, $0x1;
	s11 =	simm.s32 $0x6080;
	[dreg:$0xc] =	wrdreg s21  }
0x11: {  	s12 =	simm.s32 $0x6880;
	v0 =	vmov s26;
	s26 =	simm.s32 $0xD880;
	[dreg:$0xd] =	wrdreg s22  }
0x12: {  	s9 =	sand.u32 $0x60, s5;
	s5 =	sshll.u32 s5, $0x8;
	[dreg:$0xe] =	wrdreg s23  }
0x13: {  	s2 =	ssub.s32 s2, s17;
	s17 =	simm.s32 $0x9080;
	[dreg:$0xf] =	wrdreg s24  }
0x14: {  	s6 =	sor.u32 s9, s6;
	s13 =	sadd.s32 s8, s5;
	[dreg:$0x10] =	wrdreg s10  }
0x15: {  	s5 =	sadd.s32 $0x200, s1;
	s8 =	sadd.s32 $0x500, s1;
	[dreg:$0x11] =	wrdreg s11  }
0x16: {  	s9 =	sadd.s32 $0x600, s1;
	s10 =	sadd.s32 $0x700, s1;
	[dreg:$0x12] =	wrdreg s12  }
0x17: {  	s11 =	smax.u32 s2, $0x1;
	s12 =	simm.s32 $0x2;
	[dreg:$0x13] =	wrdreg s25  }
0x18: {  	s15 =	simm.s32 $0x8080;
	s16 =	simm.s32 $0x8880;
	s18 =	simm.s32 $0x9880  }
0x19: {  	s19 =	simm.s32 $0xA080;
	s20 =	simm.s32 $0xA880;
	s21 =	simm.s32 $0xB080  }
0x1a: {  	s22 =	simm.s32 $0xB880;
	s23 =	simm.s32 $0xC080;
	s24 =	simm.s32 $0xC880  }
0x1b: {  	v3 =	vlaneseq.u32;
	s25 =	simm.s32 $0xD080;
	s2 =	simm.s32 $0x1;
	s6 =	sshrl.u32 s6, $0x3  }
0x1c: {  	vm0 =	vmmov $0xffff;
	v2 =	vshrl.u32 v3, $0x3;
	[dreg:$0x5] =	wrdreg s13;
	s13 =	simm.s32 $0x80;
	s4 =	sadd.s32 s4, s6  }
0x1d: {  	v1 =	vand.u32 $0x7, v3;
	v3 =	vor.u32 $0x8, v3;
	v2 =	vmul.u32 $0x8, v2;
	s6 =	sadd.s32 $0x300, s1;
	[dreg:$0x4] =	wrdreg s4;
	s4 =	sadd.s32 $0x100, s1  }
.LBB2_1:
0x1e: {  	s0 =	rddreg [dreg:$0x4]  }
0x1f: {  	[tilespmem:s3], [sflag:$0x2] =	stream.linear.gather [hbm4b:s0+s3], $0x20, $0x38;
	[tilespmem:$0x10080] =	vst v63  }
0x20: {  	_ =	swait.ge [sflag:s12], $0x20  }
0x21: {  	[sflag:s12] =	ssyncset.done $0x0  }
0x22: {  	[sflag:s12] =	ssyncadd.s32 $0xFFFFFFE0  }
0x23: {  	v4 =	vld [tilespmem:$0x0];
	_ =	sdelay $0x4  }
0x24: {  	v5 =	vadd.s32 v0, v4  }
0x25: {  	v6 =	vshll.u32 v5, $0x4  }
0x26: {  	v4 =	vand.u32 $0x7, v4;
	v6 =	vand.u32 $0xFFFFFF80, v6  }
0x27: {  	v4 =	vor.u32 v4, v6  }
0x28: {  	v63 =	vld [tilespmem:$0x10];
	v7 =	vperm.xlane v4, v1;
	_ =	sdelay $0x1  }
0x29: {  	v7 =	vadd.s32 v2, v7;
	_ =	sdelay $0x2  }
0x2a: {  	[tilespmem:$0x0] =	vst v5;
	v5 =	vadd.s32 v0, v63  }
0x2b: {  	[tilespmem:$0x10] =	vst v5  }
0x2c: {  	[tilespmem:s13], [sflag:$0x1] =	stream.indirect_vreg.gather [hbm4b:s1+s3], $0x80, v7, vm0, $0xb8;
	[tilespmem:$0x10080] =	vst v63  }
0x2d: {  	s0 =	rddreg [dreg:$0x6]  }
0x2e: {  	[tilespmem:s0], [sflag:$0x1] =	stream.indirect_vreg.gather [hbm4b:s4+s3], $0x80, v7, vm0, $0xb8;
	[tilespmem:$0x10080] =	vst v63  }
0x2f: {  	s14 =	rddreg [dreg:$0x7]  }
0x30: {  	[tilespmem:s14], [sflag:$0x1] =	stream.indirect_vreg.gather [hbm4b:s5+s3], $0x80, v7, vm0, $0xb8;
	[tilespmem:$0x10080] =	vst v63  }
0x31: {  	s0 =	rddreg [dreg:$0x8]  }
0x32: {  	[tilespmem:s0], [sflag:$0x1] =	stream.indirect_vreg.gather [hbm4b:s6+s3], $0x80, v7, vm0, $0xb8;
	[tilespmem:$0x10080] =	vst v63  }
0x33: {  	s14 =	rddreg [dreg:$0x9]  }
0x34: {  	[tilespmem:s14], [sflag:$0x1] =	stream.indirect_vreg.gather [hbm4b:s7+s3], $0x80, v7, vm0, $0xb8;
	[tilespmem:$0x10080] =	vst v63  }
0x35: {  	v4 =	vperm.xlane v4, v3;
	s0 =	rddreg [dreg:$0xa]  }
0x36: {  	[tilespmem:s0], [sflag:$0x1] =	stream.indirect_vreg.gather [hbm4b:s8+s3], $0x80, v7, vm0, $0xb8;
	[tilespmem:$0x10080] =	vst v63  }
0x37: {  	v4 =	vadd.s32 v2, v4;
	s14 =	rddreg [dreg:$0xb]  }
0x38: {  	[tilespmem:s14], [sflag:$0x1] =	stream.indirect_vreg.gather [hbm4b:s9+s3], $0x80, v7, vm0, $0xb8;
	[tilespmem:$0x10080] =	vst v63  }
0x39: {  	s0 =	rddreg [dreg:$0xc]  }
0x3a: {  	[tilespmem:s0], [sflag:$0x1] =	stream.indirect_vreg.gather [hbm4b:s10+s3], $0x80, v7, vm0, $0xb8;
	[tilespmem:$0x10080] =	vst v63  }
0x3b: {  	s14 =	rddreg [dreg:$0xd]  }
0x3c: {  	[tilespmem:s14], [sflag:$0x1] =	stream.indirect_vreg.gather [hbm4b:s1+s3], $0x80, v4, vm0, $0xb8;
	[tilespmem:$0x10080] =	vst v63  }
0x3d: {  	s0 =	rddreg [dreg:$0xe]  }
0x3e: {  	[tilespmem:s0], [sflag:$0x1] =	stream.indirect_vreg.gather [hbm4b:s4+s3], $0x80, v4, vm0, $0xb8;
	[tilespmem:$0x10080] =	vst v63  }
0x3f: {  	s14 =	rddreg [dreg:$0xf]  }
0x40: {  	[tilespmem:s14], [sflag:$0x1] =	stream.indirect_vreg.gather [hbm4b:s5+s3], $0x80, v4, vm0, $0xb8;
	[tilespmem:$0x10080] =	vst v63  }
0x41: {  	s0 =	rddreg [dreg:$0x10]  }
0x42: {  	[tilespmem:s0], [sflag:$0x1] =	stream.indirect_vreg.gather [hbm4b:s6+s3], $0x80, v4, vm0, $0xb8;
	[tilespmem:$0x10080] =	vst v63  }
0x43: {  	s14 =	rddreg [dreg:$0x11]  }
0x44: {  	[tilespmem:s14], [sflag:$0x1] =	stream.indirect_vreg.gather [hbm4b:s7+s3], $0x80, v4, vm0, $0xb8;
	[tilespmem:$0x10080] =	vst v63  }
0x45: {  	s0 =	rddreg [dreg:$0x12]  }
0x46: {  	[tilespmem:s0], [sflag:$0x1] =	stream.indirect_vreg.gather [hbm4b:s8+s3], $0x80, v4, vm0, $0xb8;
	[tilespmem:$0x10080] =	vst v63  }
0x47: {  	s14 =	rddreg [dreg:$0x13]  }
0x48: {  	[tilespmem:s14], [sflag:$0x1] =	stream.indirect_vreg.gather [hbm4b:s9+s3], $0x80, v4, vm0, $0xb8;
	[tilespmem:$0x10080] =	vst v63  }
0x49: {  	s14 =	simm.s32 $0x7880  }
0x4a: {  	[tilespmem:s14], [sflag:$0x1] =	stream.indirect_vreg.gather [hbm4b:s10+s3], $0x80, v4, vm0, $0xb8;
	[tilespmem:$0x10080] =	vst v63  }
0x4b: {  	v4 =	vld [tilespmem:$0x10];
	_ =	sdelay $0x4  }
0x4c: {  	v5 =	vshll.u32 v4, $0x4  }
0x4d: {  	v4 =	vand.u32 $0x7, v4;
	v5 =	vand.u32 $0xFFFFFF80, v5  }
0x4e: {  	v4 =	vor.u32 v4, v5  }
0x4f: {  	v5 =	vperm.xlane v4, v1;
	_ =	sdelay $0x1  }
0x50: {  	v5 =	vadd.s32 v2, v5;
	_ =	sdelay $0x4  }
0x51: {  	[tilespmem:s15], [sflag:$0x1] =	stream.indirect_vreg.gather [hbm4b:s1+s3], $0x80, v5, vm0, $0xb8;
	[tilespmem:$0x10080] =	vst v63  }
0x52: {  	_ = 	snop  }
0x53: {  	[tilespmem:s16], [sflag:$0x1] =	stream.indirect_vreg.gather [hbm4b:s4+s3], $0x80, v5, vm0, $0xb8;
	[tilespmem:$0x10080] =	vst v63  }
0x54: {  	_ = 	snop  }
0x55: {  	[tilespmem:s17], [sflag:$0x1] =	stream.indirect_vreg.gather [hbm4b:s5+s3], $0x80, v5, vm0, $0xb8;
	[tilespmem:$0x10080] =	vst v63  }
0x56: {  	_ = 	snop  }
0x57: {  	[tilespmem:s18], [sflag:$0x1] =	stream.indirect_vreg.gather [hbm4b:s6+s3], $0x80, v5, vm0, $0xb8;
	[tilespmem:$0x10080] =	vst v63  }
0x58: {  	_ = 	snop  }
0x59: {  	[tilespmem:s19], [sflag:$0x1] =	stream.indirect_vreg.gather [hbm4b:s7+s3], $0x80, v5, vm0, $0xb8;
	[tilespmem:$0x10080] =	vst v63  }
0x5a: {  	v4 =	vperm.xlane v4, v3  }
0x5b: {  	[tilespmem:s20], [sflag:$0x1] =	stream.indirect_vreg.gather [hbm4b:s8+s3], $0x80, v5, vm0, $0xb8;
	[tilespmem:$0x10080] =	vst v63  }
0x5c: {  	v4 =	vadd.s32 v2, v4  }
0x5d: {  	[tilespmem:s21], [sflag:$0x1] =	stream.indirect_vreg.gather [hbm4b:s9+s3], $0x80, v5, vm0, $0xb8;
	[tilespmem:$0x10080] =	vst v63  }
0x5e: {  	_ = 	snop  }
0x5f: {  	[tilespmem:s22], [sflag:$0x1] =	stream.indirect_vreg.gather [hbm4b:s10+s3], $0x80, v5, vm0, $0xb8;
	[tilespmem:$0x10080] =	vst v63  }
0x60: {  	_ = 	snop  }
0x61: {  	[tilespmem:s23], [sflag:$0x1] =	stream.indirect_vreg.gather [hbm4b:s1+s3], $0x80, v4, vm0, $0xb8;
	[tilespmem:$0x10080] =	vst v63  }
0x62: {  	_ = 	snop  }
0x63: {  	[tilespmem:s24], [sflag:$0x1] =	stream.indirect_vreg.gather [hbm4b:s4+s3], $0x80, v4, vm0, $0xb8;
	[tilespmem:$0x10080] =	vst v63  }
0x64: {  	_ = 	snop  }
0x65: {  	[tilespmem:s25], [sflag:$0x1] =	stream.indirect_vreg.gather [hbm4b:s5+s3], $0x80, v4, vm0, $0xb8;
	[tilespmem:$0x10080] =	vst v63  }
0x66: {  	_ = 	snop  }
0x67: {  	[tilespmem:s26], [sflag:$0x1] =	stream.indirect_vreg.gather [hbm4b:s6+s3], $0x80, v4, vm0, $0xb8;
	[tilespmem:$0x10080] =	vst v63  }
0x68: {  	_ = 	snop  }
0x69: {  	[tilespmem:s28], [sflag:$0x1] =	stream.indirect_vreg.gather [hbm4b:s7+s3], $0x80, v4, vm0, $0xb8;
	[tilespmem:$0x10080] =	vst v63  }
0x6a: {  	_ = 	snop  }
0x6b: {  	[tilespmem:s29], [sflag:$0x1] =	stream.indirect_vreg.gather [hbm4b:s8+s3], $0x80, v4, vm0, $0xb8;
	[tilespmem:$0x10080] =	vst v63  }
0x6c: {  	_ = 	snop  }
0x6d: {  	[tilespmem:s30], [sflag:$0x1] =	stream.indirect_vreg.gather [hbm4b:s9+s3], $0x80, v4, vm0, $0xb8;
	[tilespmem:$0x10080] =	vst v63  }
0x6e: {  	_ = 	snop  }
0x6f: {  	[tilespmem:s31], [sflag:$0x1] =	stream.indirect_vreg.gather [hbm4b:s10+s3], $0x80, v4, vm0, $0xb8;
	[tilespmem:$0x10080] =	vst v63  }
0x70: {  	_ =	swait.ge [sflag:s2], $0x10000  }
0x71: {  	p0 =	sne.s32 s11, $0x1;
	[sflag:s2] =	ssyncset.done $0x0  }
.Ltmp0:
0x72: {  	s14 =	rddreg [dreg:$0x5];
	[sflag:s2] =	ssyncadd.s32 $0xFFFF0000;
	(pc) =	sbr.rel @p0 .LBB2_1-.Ltmp0, $4  }
0x73: {  	[hbm4b:s14+s3] =	stream.linear.scatter [tilespmem:s13], [sflag:$0x2], $0x10000, $0x38;
	[tilespmem:$0x10080] =	vst v63  }
0x74: {  	_ =	swait.ge [sflag:s12], $0x10000  }
0x75: {  	[sflag:s12] =	ssyncset.done $0x0  }
0x76: {  	s11 =	sadd.s32 $0xFFFFFFFF, s11;
	[sflag:s12] =	ssyncadd.s32 $0xFFFF0000  }
0x77: {  	_ =	sfence.sel $0x180000  }
0x78: {  	[bflag:$0x0] =	sbarrier.arrive $0xFFFF  }
0x79: {  	_ =	strace $0x90000047  }
0x7a: {  	s0 =	stileid.u32;
	[bflag:$0x2] =	sbarrier.arrive $0xFFFF  }
0x7b: {  	p0 =	sne.s32 s0, $0x0;
	s0 =	rddreg [dreg:$0x3]  }
0x7c: {  	s0 =	sadd.s32 @!p0 $0x100000, s0  }
0x7d: {  	[sflag:s0] =	ssyncadd.tile.s32 @!p0 $0x1;
	_ =	shalt  }
.Lfunc_end2:
_tile_overlayer_lowered:
.L_overlay_start_2:
0x7e: {  	(tag) =	ssettag $0x2  }
0x7f: {  	s0 =	rddreg [dreg:$0x0];
	s2 =	stileid.u32  }
0x80: {  	s1 =	rddreg [dreg:$0x1];
	p0 =	sne.s32 s2, $0x0  }
0x81: {  	s3 =	rddreg [dreg:$0x2];
	[bflag:$0x3] =	sbarrier.arrive $0xFFFF;
	s2 =	simm.s32 @!p0 $0x1C02  }
0x82: {  	[timem:s3], [sflag:s2] =	dma.local @!p0 [hbm:s0], s1  }
0x83: {  	s0 =	simm.s32 @!p0 $0x2  }
0x84: {  	_ =	swait.ge @!p0 [sflag:s0], s1  }
0x85: {  	s1 =	ssub.s32 @!p0 $0x0, s1;
	[sflag:s0] =	ssyncset.done @!p0 $0x0  }
0x86: {  	[sflag:s0] =	ssyncadd.s32 @!p0 s1  }
0x87: {  	[bflag:$0x3] =	sbarrier.arrive $0xFFFF  }
0x88: {  	_ =	shalt  }

</sc_bundles>
